<compile_context>
chip_gen: v7x
topology: tpu7x:2x2x1
jax: 0.10.2.dev20260603
libtpu: 0.0.44.dev20260713+nightly
codegen_flags: <defaults>
</compile_context>

<pallas_src>
import functools
import math

import jax
import jax.numpy as jnp
from jax import lax
from jax.experimental import pallas as pl
from jax.experimental.pallas import tpu as pltpu
from jax.experimental.pallas import tpu_sc as plsc

N_CLS = 32000
PAD = 0
EPS = 0.1 / (N_CLS - 2)
CONF = 0.9
C0 = (N_CLS - 2) * EPS * math.log(EPS) + CONF * math.log(CONF)

RBLK = 128

_INFO = plsc.get_sparse_core_info()
_NC, _NS, _L = _INFO.num_cores, _INFO.num_subcores, _INFO.num_lanes
_NW = _NC * _NS


def _sc_gather_build(n_tok):
    rpw = n_tok // _NW
    mesh = plsc.VectorSubcoreMesh(core_axis_name="c", subcore_axis_name="s")

    @functools.partial(
        pl.kernel, mesh=mesh,
        out_type=jax.ShapeDtypeStruct((_NW, rpw), jnp.float32),
        scratch_types=[
            pltpu.VMEM((rpw,), jnp.int32),
            pltpu.VMEM((rpw,), jnp.int32),
            pltpu.VMEM((rpw,), jnp.float32),
            pltpu.SemaphoreType.DMA,
        ],
    )
    def sc_gather(x_flat_hbm, tgt_hbm, out_hbm, tgt_v, idx_v, g_v, sem):
        wid = lax.axis_index("s") * _NC + lax.axis_index("c")
        base = wid * rpw
        pltpu.sync_copy(tgt_hbm.at[pl.ds(base, rpw)], tgt_v)
        for i in range(rpw // _L):
            t16 = tgt_v[pl.ds(i * _L, _L)]
            row16 = base + i * _L + lax.iota(jnp.int32, _L)
            addr = ((row16 >> 3) * (8 * N_CLS) + (t16 >> 7) * 1024
                    + (row16 & 7) * 128 + (t16 & 127))
            idx_v[pl.ds(i * _L, _L)] = addr
        pltpu.async_copy(x_flat_hbm.at[idx_v], g_v, sem).wait()
        pltpu.sync_copy(g_v, out_hbm.at[wid])

    return sc_gather


def _tc_body(tgt_ref, g_ref, x_ref, out_ref):
    j = pl.program_id(0)
    x = x_ref[...]
    tgt = tgt_ref[...]
    tmask = tgt != PAD

    rs = jnp.sum(x, axis=1, keepdims=True)
    part_masked = jnp.sum(jnp.where(tmask, rs, 0.0))
    col0_masked = jnp.sum(jnp.where(tmask, x[:, 0:1], 0.0))
    cnt = jnp.sum(tmask.astype(jnp.float32))
    g = g_ref[...]
    gsum = jnp.sum(jnp.where(tmask, g, 0.0))

    part = (C0 * cnt - EPS * (part_masked - col0_masked)
            - (CONF - EPS) * gsum)

    @pl.when(j == 0)
    def _init():
        out_ref[0, 0] = part

    @pl.when(j != 0)
    def _acc():
        out_ref[0, 0] += part


def kernel(x, target):
    n, c = x.shape
    x_tiled_view = (x.reshape(n // 8, 8, c // 128, 128)
                    .transpose(0, 2, 1, 3).reshape(-1))
    g = _sc_gather_build(n)(x_tiled_view, target)
    out = pl.pallas_call(
        _tc_body,
        grid=(n // RBLK,),
        in_specs=[
            pl.BlockSpec((RBLK, 1), lambda j: (j, 0)),
            pl.BlockSpec((RBLK, 1), lambda j: (j, 0)),
            pl.BlockSpec((RBLK, c), lambda j: (j, 0)),
        ],
        out_specs=pl.BlockSpec((1, 1), lambda j: (0, 0),
                               memory_space=pltpu.SMEM),
        out_shape=jax.ShapeDtypeStruct((1, 1), jnp.float32),
    )(target.reshape(n, 1), g.reshape(n, 1), x)
    return out[0, 0]

# --- scband reference (transcript-rebuilt; emitter-appended) ---
"""Pipeline reference for scband-label-smoothing-42743514530242 (READ-ONLY COPY).

The authoritative reference and input builder live on the scoring server;
editing this copy changes nothing except your own understanding.
"""

import jax, jax.numpy as jnp
import numpy as np

N_CLS = 32000
PADDING_IDX = 0
SMOOTHING = 0.1
CONFIDENCE = 1.0 - SMOOTHING
N_TOK = 4096

def setup_inputs(seed: int = 0) -> dict:
    key = jax.random.key(seed)
    k1, k2 = jax.random.split(key)
    x = jax.random.normal(k1, (N_TOK, N_CLS), dtype=jnp.float32)
    target = jax.random.randint(k2, (N_TOK,), 0, N_CLS, dtype=jnp.int32)
    return {"x": x, "target": target}

def reference(x, target):
    # build smoothed target distribution
    true_dist = jnp.full(x.shape, SMOOTHING / (N_CLS - 2), dtype=x.dtype)
    rows = jnp.arange(x.shape[0])
    true_dist = true_dist.at[rows, target].set(CONFIDENCE)
    true_dist = true_dist.at[:, PADDING_IDX].set(0.0)
    pad_mask = (target == PADDING_IDX)
    true_dist = jnp.where(pad_mask[:, None], 0.0, true_dist)
    t = jax.lax.stop_gradient(true_dist)
    # KLDivLoss(reduction='sum') with x as log-probs: sum t*(log t - x), 0 where t==0
    loss = jnp.sum(jnp.where(t > 0, t * (jnp.log(jnp.where(t > 0, t, 1.0)) - x), 0.0))
    return loss

if __name__ == "__main__":
    import jax
    _d = setup_inputs()
    print(jax.jit(kernel)(*tuple(_d.values())))

</pallas_src>

<mosaic_0001>
#map = affine_map<(d0, d1) -> (0)>
#map1 = affine_map<(d0, d1) -> (0, 0)>
module attributes {stable_mosaic.version = 14 : i64} {
  func.func @sc_gather(%arg0: i32, %arg1: i32, %arg2: memref<131072000xf32, #tpu.memory_space<hbm>>, %arg3: memref<4096xi32, #tpu.memory_space<hbm>>, %arg4: memref<32x128xf32, #tpu.memory_space<hbm>>, %arg5: memref<128xi32, #tpu.memory_space<vmem>>, %arg6: memref<128xi32, #tpu.memory_space<vmem>>, %arg7: memref<128xf32, #tpu.memory_space<vmem>>, %arg8: memref<!tpu.dma_semaphore, #tpu.memory_space<semaphore_mem>>) attributes {dimension_semantics = [#tpu.dimension_semantics<core_parallel>, #tpu.dimension_semantics<subcore_parallel>], iteration_bounds = array<i64: 2, 16>, scalar_prefetch = 0 : i64, scratch_operands = 4 : i64, tpu.core_type = #tpu.core_type<sc_vector_subcore>, window_params = [{transform_indices = #map}, {transform_indices = #map}, {transform_indices = #map1}]} {
    %mul3A = arith.constant 2 : i32
    %mul3A_0 = arith.muli %arg1, %mul3A : i32
    %add3A = arith.addi %mul3A_0, %arg0 : i32
    %mul3A_1 = arith.constant 128 : i32
    %mul3A_2 = arith.muli %add3A, %mul3A_1 : i32
    "tpu.region"() ({
      %run_scoped3A = tpu.sem_alloc : memref<!tpu.dma_semaphore, #tpu.memory_space<semaphore_mem>>
      %dma_start3A_288 = tpu.memref_slice %arg3[%mul3A_2] : memref<4096xi32, #tpu.memory_space<hbm>> -> memref<128xi32, #tpu.memory_space<hbm>>
      %dma_start3A_289 = tpu.memref_slice %arg3[%mul3A_2] : memref<4096xi32, #tpu.memory_space<hbm>> -> memref<128xi32, #tpu.memory_space<hbm>>
      tpu.enqueue_dma source(%dma_start3A_289 : memref<128xi32, #tpu.memory_space<hbm>>) target(%arg5 : memref<128xi32, #tpu.memory_space<vmem>>) target_semaphore(%run_scoped3A : memref<!tpu.dma_semaphore, #tpu.memory_space<semaphore_mem>>)
      %dma_wait3A_290 = tpu.memref_slice %arg3[%mul3A_2] : memref<4096xi32, #tpu.memory_space<hbm>> -> memref<128xi32, #tpu.memory_space<hbm>>
      %dma_wait3A_291 = tpu.memref_slice %arg3[%mul3A_2] : memref<4096xi32, #tpu.memory_space<hbm>> -> memref<128xi32, #tpu.memory_space<hbm>>
      tpu.wait_dma2 semaphore(%run_scoped3A : memref<!tpu.dma_semaphore, #tpu.memory_space<semaphore_mem>>) src(%dma_wait3A_291 : memref<128xi32, #tpu.memory_space<hbm>>) dst(%arg5 : memref<128xi32, #tpu.memory_space<vmem>>)
      tpu.yield
    }) : () -> ()
    %get3A = arith.constant 0 : index
    %get3A_3 = tpu.vector_load %arg5[%get3A] {strides = array<i32>} : memref<128xi32, #tpu.memory_space<vmem>>, vector<16xi32>,
    %get3A_4 = vector.shape_cast %get3A_3 : vector<16xi32> to vector<16xi32>
    %add3A_5 = arith.constant 0 : i32
    %add3A_6 = arith.addi %mul3A_2, %add3A_5 : i32
    %iota3A = tpu.iota {dimensions = array<i32: 0>} : vector<16xi32>
    %add3A_7 = vector.broadcast %add3A_6 : i32 to vector<16xi32>
    %add3A_8 = arith.addi %add3A_7, %iota3A : vector<16xi32>
    %shift_right_arithmetic3A = arith.constant 3 : i32
    %shift_right_arithmetic3A_9 = vector.broadcast %shift_right_arithmetic3A : i32 to vector<16xi32>
    %shift_right_arithmetic3A_10 = arith.shrsi %add3A_8, %shift_right_arithmetic3A_9 : vector<16xi32>
    %mul3A_11 = arith.constant 256000 : i32
    %mul3A_12 = vector.broadcast %mul3A_11 : i32 to vector<16xi32>
    %mul3A_13 = arith.muli %shift_right_arithmetic3A_10, %mul3A_12 : vector<16xi32>
    %shift_right_arithmetic3A_14 = arith.constant 7 : i32
    %shift_right_arithmetic3A_15 = vector.broadcast %shift_right_arithmetic3A_14 : i32 to vector<16xi32>
    %shift_right_arithmetic3A_16 = arith.shrsi %get3A_4, %shift_right_arithmetic3A_15 : vector<16xi32>
    %mul3A_17 = arith.constant 1024 : i32
    %mul3A_18 = vector.broadcast %mul3A_17 : i32 to vector<16xi32>
    %mul3A_19 = arith.muli %shift_right_arithmetic3A_16, %mul3A_18 : vector<16xi32>
    %add3A_20 = arith.addi %mul3A_13, %mul3A_19 : vector<16xi32>
    %and3A = arith.constant 7 : i32
    %and3A_21 = vector.broadcast %and3A : i32 to vector<16xi32>
    %and3A_22 = arith.andi %add3A_8, %and3A_21 : vector<16xi32>
    %mul3A_23 = arith.constant 128 : i32
    %mul3A_24 = vector.broadcast %mul3A_23 : i32 to vector<16xi32>
    %mul3A_25 = arith.muli %and3A_22, %mul3A_24 : vector<16xi32>
    %add3A_26 = arith.addi %add3A_20, %mul3A_25 : vector<16xi32>
    %and3A_27 = arith.constant 127 : i32
    %and3A_28 = vector.broadcast %and3A_27 : i32 to vector<16xi32>
    %and3A_29 = arith.andi %get3A_4, %and3A_28 : vector<16xi32>
    %add3A_30 = arith.addi %add3A_26, %and3A_29 : vector<16xi32>
    %swap3A = arith.constant 0 : index
    %swap3A_31 = tpu.vector_load %arg6[%swap3A] {strides = array<i32>} : memref<128xi32, #tpu.memory_space<vmem>>, vector<16xi32>,
    %swap3A_32 = vector.shape_cast %swap3A_31 : vector<16xi32> to vector<16xi32>
    %swap3A_33 = vector.shape_cast %add3A_30 : vector<16xi32> to vector<16xi32>
    tpu.vector_store %arg6[%swap3A], %swap3A_33 {strides = array<i32>} : memref<128xi32, #tpu.memory_space<vmem>>, vector<16xi32>,
    %get3A_34 = arith.constant 16 : index
    %get3A_35 = tpu.vector_load %arg5[%get3A_34] {strides = array<i32>} : memref<128xi32, #tpu.memory_space<vmem>>, vector<16xi32>,
    %get3A_36 = vector.shape_cast %get3A_35 : vector<16xi32> to vector<16xi32>
    %add3A_37 = arith.constant 16 : i32
    %add3A_38 = arith.addi %mul3A_2, %add3A_37 : i32
    %iota3A_39 = tpu.iota {dimensions = array<i32: 0>} : vector<16xi32>
    %add3A_40 = vector.broadcast %add3A_38 : i32 to vector<16xi32>
    %add3A_41 = arith.addi %add3A_40, %iota3A_39 : vector<16xi32>
    %shift_right_arithmetic3A_42 = arith.constant 3 : i32
    %shift_right_arithmetic3A_43 = vector.broadcast %shift_right_arithmetic3A_42 : i32 to vector<16xi32>
    %shift_right_arithmetic3A_44 = arith.shrsi %add3A_41, %shift_right_arithmetic3A_43 : vector<16xi32>
    %mul3A_45 = arith.constant 256000 : i32
    %mul3A_46 = vector.broadcast %mul3A_45 : i32 to vector<16xi32>
    %mul3A_47 = arith.muli %shift_right_arithmetic3A_44, %mul3A_46 : vector<16xi32>
    %shift_right_arithmetic3A_48 = arith.constant 7 : i32
    %shift_right_arithmetic3A_49 = vector.broadcast %shift_right_arithmetic3A_48 : i32 to vector<16xi32>
    %shift_right_arithmetic3A_50 = arith.shrsi %get3A_36, %shift_right_arithmetic3A_49 : vector<16xi32>
    %mul3A_51 = arith.constant 1024 : i32
    %mul3A_52 = vector.broadcast %mul3A_51 : i32 to vector<16xi32>
    %mul3A_53 = arith.muli %shift_right_arithmetic3A_50, %mul3A_52 : vector<16xi32>
    %add3A_54 = arith.addi %mul3A_47, %mul3A_53 : vector<16xi32>
    %and3A_55 = arith.constant 7 : i32
    %and3A_56 = vector.broadcast %and3A_55 : i32 to vector<16xi32>
    %and3A_57 = arith.andi %add3A_41, %and3A_56 : vector<16xi32>
    %mul3A_58 = arith.constant 128 : i32
    %mul3A_59 = vector.broadcast %mul3A_58 : i32 to vector<16xi32>
    %mul3A_60 = arith.muli %and3A_57, %mul3A_59 : vector<16xi32>
    %add3A_61 = arith.addi %add3A_54, %mul3A_60 : vector<16xi32>
    %and3A_62 = arith.constant 127 : i32
    %and3A_63 = vector.broadcast %and3A_62 : i32 to vector<16xi32>
    %and3A_64 = arith.andi %get3A_36, %and3A_63 : vector<16xi32>
    %add3A_65 = arith.addi %add3A_61, %and3A_64 : vector<16xi32>
    %swap3A_66 = arith.constant 16 : index
    %swap3A_67 = tpu.vector_load %arg6[%swap3A_66] {strides = array<i32>} : memref<128xi32, #tpu.memory_space<vmem>>, vector<16xi32>,
    %swap3A_68 = vector.shape_cast %swap3A_67 : vector<16xi32> to vector<16xi32>
    %swap3A_69 = vector.shape_cast %add3A_65 : vector<16xi32> to vector<16xi32>
    tpu.vector_store %arg6[%swap3A_66], %swap3A_69 {strides = array<i32>} : memref<128xi32, #tpu.memory_space<vmem>>, vector<16xi32>,
    %get3A_70 = arith.constant 32 : index
    %get3A_71 = tpu.vector_load %arg5[%get3A_70] {strides = array<i32>} : memref<128xi32, #tpu.memory_space<vmem>>, vector<16xi32>,
    %get3A_72 = vector.shape_cast %get3A_71 : vector<16xi32> to vector<16xi32>
    %add3A_73 = arith.constant 32 : i32
    %add3A_74 = arith.addi %mul3A_2, %add3A_73 : i32
    %iota3A_75 = tpu.iota {dimensions = array<i32: 0>} : vector<16xi32>
    %add3A_76 = vector.broadcast %add3A_74 : i32 to vector<16xi32>
    %add3A_77 = arith.addi %add3A_76, %iota3A_75 : vector<16xi32>
    %shift_right_arithmetic3A_78 = arith.constant 3 : i32
    %shift_right_arithmetic3A_79 = vector.broadcast %shift_right_arithmetic3A_78 : i32 to vector<16xi32>
    %shift_right_arithmetic3A_80 = arith.shrsi %add3A_77, %shift_right_arithmetic3A_79 : vector<16xi32>
    %mul3A_81 = arith.constant 256000 : i32
    %mul3A_82 = vector.broadcast %mul3A_81 : i32 to vector<16xi32>
    %mul3A_83 = arith.muli %shift_right_arithmetic3A_80, %mul3A_82 : vector<16xi32>
    %shift_right_arithmetic3A_84 = arith.constant 7 : i32
    %shift_right_arithmetic3A_85 = vector.broadcast %shift_right_arithmetic3A_84 : i32 to vector<16xi32>
    %shift_right_arithmetic3A_86 = arith.shrsi %get3A_72, %shift_right_arithmetic3A_85 : vector<16xi32>
    %mul3A_87 = arith.constant 1024 : i32
    %mul3A_88 = vector.broadcast %mul3A_87 : i32 to vector<16xi32>
    %mul3A_89 = arith.muli %shift_right_arithmetic3A_86, %mul3A_88 : vector<16xi32>
    %add3A_90 = arith.addi %mul3A_83, %mul3A_89 : vector<16xi32>
    %and3A_91 = arith.constant 7 : i32
    %and3A_92 = vector.broadcast %and3A_91 : i32 to vector<16xi32>
    %and3A_93 = arith.andi %add3A_77, %and3A_92 : vector<16xi32>
    %mul3A_94 = arith.constant 128 : i32
    %mul3A_95 = vector.broadcast %mul3A_94 : i32 to vector<16xi32>
    %mul3A_96 = arith.muli %and3A_93, %mul3A_95 : vector<16xi32>
    %add3A_97 = arith.addi %add3A_90, %mul3A_96 : vector<16xi32>
    %and3A_98 = arith.constant 127 : i32
    %and3A_99 = vector.broadcast %and3A_98 : i32 to vector<16xi32>
    %and3A_100 = arith.andi %get3A_72, %and3A_99 : vector<16xi32>
    %add3A_101 = arith.addi %add3A_97, %and3A_100 : vector<16xi32>
    %swap3A_102 = arith.constant 32 : index
    %swap3A_103 = tpu.vector_load %arg6[%swap3A_102] {strides = array<i32>} : memref<128xi32, #tpu.memory_space<vmem>>, vector<16xi32>,
    %swap3A_104 = vector.shape_cast %swap3A_103 : vector<16xi32> to vector<16xi32>
    %swap3A_105 = vector.shape_cast %add3A_101 : vector<16xi32> to vector<16xi32>
    tpu.vector_store %arg6[%swap3A_102], %swap3A_105 {strides = array<i32>} : memref<128xi32, #tpu.memory_space<vmem>>, vector<16xi32>,
    %get3A_106 = arith.constant 48 : index
    %get3A_107 = tpu.vector_load %arg5[%get3A_106] {strides = array<i32>} : memref<128xi32, #tpu.memory_space<vmem>>, vector<16xi32>,
    %get3A_108 = vector.shape_cast %get3A_107 : vector<16xi32> to vector<16xi32>
    %add3A_109 = arith.constant 48 : i32
    %add3A_110 = arith.addi %mul3A_2, %add3A_109 : i32
    %iota3A_111 = tpu.iota {dimensions = array<i32: 0>} : vector<16xi32>
    %add3A_112 = vector.broadcast %add3A_110 : i32 to vector<16xi32>
    %add3A_113 = arith.addi %add3A_112, %iota3A_111 : vector<16xi32>
    %shift_right_arithmetic3A_114 = arith.constant 3 : i32
    %shift_right_arithmetic3A_115 = vector.broadcast %shift_right_arithmetic3A_114 : i32 to vector<16xi32>
    %shift_right_arithmetic3A_116 = arith.shrsi %add3A_113, %shift_right_arithmetic3A_115 : vector<16xi32>
    %mul3A_117 = arith.constant 256000 : i32
    %mul3A_118 = vector.broadcast %mul3A_117 : i32 to vector<16xi32>
    %mul3A_119 = arith.muli %shift_right_arithmetic3A_116, %mul3A_118 : vector<16xi32>
    %shift_right_arithmetic3A_120 = arith.constant 7 : i32
    %shift_right_arithmetic3A_121 = vector.broadcast %shift_right_arithmetic3A_120 : i32 to vector<16xi32>
    %shift_right_arithmetic3A_122 = arith.shrsi %get3A_108, %shift_right_arithmetic3A_121 : vector<16xi32>
    %mul3A_123 = arith.constant 1024 : i32
    %mul3A_124 = vector.broadcast %mul3A_123 : i32 to vector<16xi32>
    %mul3A_125 = arith.muli %shift_right_arithmetic3A_122, %mul3A_124 : vector<16xi32>
    %add3A_126 = arith.addi %mul3A_119, %mul3A_125 : vector<16xi32>
    %and3A_127 = arith.constant 7 : i32
    %and3A_128 = vector.broadcast %and3A_127 : i32 to vector<16xi32>
    %and3A_129 = arith.andi %add3A_113, %and3A_128 : vector<16xi32>
    %mul3A_130 = arith.constant 128 : i32
    %mul3A_131 = vector.broadcast %mul3A_130 : i32 to vector<16xi32>
    %mul3A_132 = arith.muli %and3A_129, %mul3A_131 : vector<16xi32>
    %add3A_133 = arith.addi %add3A_126, %mul3A_132 : vector<16xi32>
    %and3A_134 = arith.constant 127 : i32
    %and3A_135 = vector.broadcast %and3A_134 : i32 to vector<16xi32>
    %and3A_136 = arith.andi %get3A_108, %and3A_135 : vector<16xi32>
    %add3A_137 = arith.addi %add3A_133, %and3A_136 : vector<16xi32>
    %swap3A_138 = arith.constant 48 : index
    %swap3A_139 = tpu.vector_load %arg6[%swap3A_138] {strides = array<i32>} : memref<128xi32, #tpu.memory_space<vmem>>, vector<16xi32>,
    %swap3A_140 = vector.shape_cast %swap3A_139 : vector<16xi32> to vector<16xi32>
    %swap3A_141 = vector.shape_cast %add3A_137 : vector<16xi32> to vector<16xi32>
    tpu.vector_store %arg6[%swap3A_138], %swap3A_141 {strides = array<i32>} : memref<128xi32, #tpu.memory_space<vmem>>, vector<16xi32>,
    %get3A_142 = arith.constant 64 : index
    %get3A_143 = tpu.vector_load %arg5[%get3A_142] {strides = array<i32>} : memref<128xi32, #tpu.memory_space<vmem>>, vector<16xi32>,
    %get3A_144 = vector.shape_cast %get3A_143 : vector<16xi32> to vector<16xi32>
    %add3A_145 = arith.constant 64 : i32
    %add3A_146 = arith.addi %mul3A_2, %add3A_145 : i32
    %iota3A_147 = tpu.iota {dimensions = array<i32: 0>} : vector<16xi32>
    %add3A_148 = vector.broadcast %add3A_146 : i32 to vector<16xi32>
    %add3A_149 = arith.addi %add3A_148, %iota3A_147 : vector<16xi32>
    %shift_right_arithmetic3A_150 = arith.constant 3 : i32
    %shift_right_arithmetic3A_151 = vector.broadcast %shift_right_arithmetic3A_150 : i32 to vector<16xi32>
    %shift_right_arithmetic3A_152 = arith.shrsi %add3A_149, %shift_right_arithmetic3A_151 : vector<16xi32>
    %mul3A_153 = arith.constant 256000 : i32
    %mul3A_154 = vector.broadcast %mul3A_153 : i32 to vector<16xi32>
    %mul3A_155 = arith.muli %shift_right_arithmetic3A_152, %mul3A_154 : vector<16xi32>
    %shift_right_arithmetic3A_156 = arith.constant 7 : i32
    %shift_right_arithmetic3A_157 = vector.broadcast %shift_right_arithmetic3A_156 : i32 to vector<16xi32>
    %shift_right_arithmetic3A_158 = arith.shrsi %get3A_144, %shift_right_arithmetic3A_157 : vector<16xi32>
    %mul3A_159 = arith.constant 1024 : i32
    %mul3A_160 = vector.broadcast %mul3A_159 : i32 to vector<16xi32>
    %mul3A_161 = arith.muli %shift_right_arithmetic3A_158, %mul3A_160 : vector<16xi32>
    %add3A_162 = arith.addi %mul3A_155, %mul3A_161 : vector<16xi32>
    %and3A_163 = arith.constant 7 : i32
    %and3A_164 = vector.broadcast %and3A_163 : i32 to vector<16xi32>
    %and3A_165 = arith.andi %add3A_149, %and3A_164 : vector<16xi32>
    %mul3A_166 = arith.constant 128 : i32
    %mul3A_167 = vector.broadcast %mul3A_166 : i32 to vector<16xi32>
    %mul3A_168 = arith.muli %and3A_165, %mul3A_167 : vector<16xi32>
    %add3A_169 = arith.addi %add3A_162, %mul3A_168 : vector<16xi32>
    %and3A_170 = arith.constant 127 : i32
    %and3A_171 = vector.broadcast %and3A_170 : i32 to vector<16xi32>
    %and3A_172 = arith.andi %get3A_144, %and3A_171 : vector<16xi32>
    %add3A_173 = arith.addi %add3A_169, %and3A_172 : vector<16xi32>
    %swap3A_174 = arith.constant 64 : index
    %swap3A_175 = tpu.vector_load %arg6[%swap3A_174] {strides = array<i32>} : memref<128xi32, #tpu.memory_space<vmem>>, vector<16xi32>,
    %swap3A_176 = vector.shape_cast %swap3A_175 : vector<16xi32> to vector<16xi32>
    %swap3A_177 = vector.shape_cast %add3A_173 : vector<16xi32> to vector<16xi32>
    tpu.vector_store %arg6[%swap3A_174], %swap3A_177 {strides = array<i32>} : memref<128xi32, #tpu.memory_space<vmem>>, vector<16xi32>,
    %get3A_178 = arith.constant 80 : index
    %get3A_179 = tpu.vector_load %arg5[%get3A_178] {strides = array<i32>} : memref<128xi32, #tpu.memory_space<vmem>>, vector<16xi32>,
    %get3A_180 = vector.shape_cast %get3A_179 : vector<16xi32> to vector<16xi32>
    %add3A_181 = arith.constant 80 : i32
    %add3A_182 = arith.addi %mul3A_2, %add3A_181 : i32
    %iota3A_183 = tpu.iota {dimensions = array<i32: 0>} : vector<16xi32>
    %add3A_184 = vector.broadcast %add3A_182 : i32 to vector<16xi32>
    %add3A_185 = arith.addi %add3A_184, %iota3A_183 : vector<16xi32>
    %shift_right_arithmetic3A_186 = arith.constant 3 : i32
    %shift_right_arithmetic3A_187 = vector.broadcast %shift_right_arithmetic3A_186 : i32 to vector<16xi32>
    %shift_right_arithmetic3A_188 = arith.shrsi %add3A_185, %shift_right_arithmetic3A_187 : vector<16xi32>
    %mul3A_189 = arith.constant 256000 : i32
    %mul3A_190 = vector.broadcast %mul3A_189 : i32 to vector<16xi32>
    %mul3A_191 = arith.muli %shift_right_arithmetic3A_188, %mul3A_190 : vector<16xi32>
    %shift_right_arithmetic3A_192 = arith.constant 7 : i32
    %shift_right_arithmetic3A_193 = vector.broadcast %shift_right_arithmetic3A_192 : i32 to vector<16xi32>
    %shift_right_arithmetic3A_194 = arith.shrsi %get3A_180, %shift_right_arithmetic3A_193 : vector<16xi32>
    %mul3A_195 = arith.constant 1024 : i32
    %mul3A_196 = vector.broadcast %mul3A_195 : i32 to vector<16xi32>
    %mul3A_197 = arith.muli %shift_right_arithmetic3A_194, %mul3A_196 : vector<16xi32>
    %add3A_198 = arith.addi %mul3A_191, %mul3A_197 : vector<16xi32>
    %and3A_199 = arith.constant 7 : i32
    %and3A_200 = vector.broadcast %and3A_199 : i32 to vector<16xi32>
    %and3A_201 = arith.andi %add3A_185, %and3A_200 : vector<16xi32>
    %mul3A_202 = arith.constant 128 : i32
    %mul3A_203 = vector.broadcast %mul3A_202 : i32 to vector<16xi32>
    %mul3A_204 = arith.muli %and3A_201, %mul3A_203 : vector<16xi32>
    %add3A_205 = arith.addi %add3A_198, %mul3A_204 : vector<16xi32>
    %and3A_206 = arith.constant 127 : i32
    %and3A_207 = vector.broadcast %and3A_206 : i32 to vector<16xi32>
    %and3A_208 = arith.andi %get3A_180, %and3A_207 : vector<16xi32>
    %add3A_209 = arith.addi %add3A_205, %and3A_208 : vector<16xi32>
    %swap3A_210 = arith.constant 80 : index
    %swap3A_211 = tpu.vector_load %arg6[%swap3A_210] {strides = array<i32>} : memref<128xi32, #tpu.memory_space<vmem>>, vector<16xi32>,
    %swap3A_212 = vector.shape_cast %swap3A_211 : vector<16xi32> to vector<16xi32>
    %swap3A_213 = vector.shape_cast %add3A_209 : vector<16xi32> to vector<16xi32>
    tpu.vector_store %arg6[%swap3A_210], %swap3A_213 {strides = array<i32>} : memref<128xi32, #tpu.memory_space<vmem>>, vector<16xi32>,
    %get3A_214 = arith.constant 96 : index
    %get3A_215 = tpu.vector_load %arg5[%get3A_214] {strides = array<i32>} : memref<128xi32, #tpu.memory_space<vmem>>, vector<16xi32>,
    %get3A_216 = vector.shape_cast %get3A_215 : vector<16xi32> to vector<16xi32>
    %add3A_217 = arith.constant 96 : i32
    %add3A_218 = arith.addi %mul3A_2, %add3A_217 : i32
    %iota3A_219 = tpu.iota {dimensions = array<i32: 0>} : vector<16xi32>
    %add3A_220 = vector.broadcast %add3A_218 : i32 to vector<16xi32>
    %add3A_221 = arith.addi %add3A_220, %iota3A_219 : vector<16xi32>
    %shift_right_arithmetic3A_222 = arith.constant 3 : i32
    %shift_right_arithmetic3A_223 = vector.broadcast %shift_right_arithmetic3A_222 : i32 to vector<16xi32>
    %shift_right_arithmetic3A_224 = arith.shrsi %add3A_221, %shift_right_arithmetic3A_223 : vector<16xi32>
    %mul3A_225 = arith.constant 256000 : i32
    %mul3A_226 = vector.broadcast %mul3A_225 : i32 to vector<16xi32>
    %mul3A_227 = arith.muli %shift_right_arithmetic3A_224, %mul3A_226 : vector<16xi32>
    %shift_right_arithmetic3A_228 = arith.constant 7 : i32
    %shift_right_arithmetic3A_229 = vector.broadcast %shift_right_arithmetic3A_228 : i32 to vector<16xi32>
    %shift_right_arithmetic3A_230 = arith.shrsi %get3A_216, %shift_right_arithmetic3A_229 : vector<16xi32>
    %mul3A_231 = arith.constant 1024 : i32
    %mul3A_232 = vector.broadcast %mul3A_231 : i32 to vector<16xi32>
    %mul3A_233 = arith.muli %shift_right_arithmetic3A_230, %mul3A_232 : vector<16xi32>
    %add3A_234 = arith.addi %mul3A_227, %mul3A_233 : vector<16xi32>
    %and3A_235 = arith.constant 7 : i32
    %and3A_236 = vector.broadcast %and3A_235 : i32 to vector<16xi32>
    %and3A_237 = arith.andi %add3A_221, %and3A_236 : vector<16xi32>
    %mul3A_238 = arith.constant 128 : i32
    %mul3A_239 = vector.broadcast %mul3A_238 : i32 to vector<16xi32>
    %mul3A_240 = arith.muli %and3A_237, %mul3A_239 : vector<16xi32>
    %add3A_241 = arith.addi %add3A_234, %mul3A_240 : vector<16xi32>
    %and3A_242 = arith.constant 127 : i32
    %and3A_243 = vector.broadcast %and3A_242 : i32 to vector<16xi32>
    %and3A_244 = arith.andi %get3A_216, %and3A_243 : vector<16xi32>
    %add3A_245 = arith.addi %add3A_241, %and3A_244 : vector<16xi32>
    %swap3A_246 = arith.constant 96 : index
    %swap3A_247 = tpu.vector_load %arg6[%swap3A_246] {strides = array<i32>} : memref<128xi32, #tpu.memory_space<vmem>>, vector<16xi32>,
    %swap3A_248 = vector.shape_cast %swap3A_247 : vector<16xi32> to vector<16xi32>
    %swap3A_249 = vector.shape_cast %add3A_245 : vector<16xi32> to vector<16xi32>
    tpu.vector_store %arg6[%swap3A_246], %swap3A_249 {strides = array<i32>} : memref<128xi32, #tpu.memory_space<vmem>>, vector<16xi32>,
    %get3A_250 = arith.constant 112 : index
    %get3A_251 = tpu.vector_load %arg5[%get3A_250] {strides = array<i32>} : memref<128xi32, #tpu.memory_space<vmem>>, vector<16xi32>,
    %get3A_252 = vector.shape_cast %get3A_251 : vector<16xi32> to vector<16xi32>
    %add3A_253 = arith.constant 112 : i32
    %add3A_254 = arith.addi %mul3A_2, %add3A_253 : i32
    %iota3A_255 = tpu.iota {dimensions = array<i32: 0>} : vector<16xi32>
    %add3A_256 = vector.broadcast %add3A_254 : i32 to vector<16xi32>
    %add3A_257 = arith.addi %add3A_256, %iota3A_255 : vector<16xi32>
    %shift_right_arithmetic3A_258 = arith.constant 3 : i32
    %shift_right_arithmetic3A_259 = vector.broadcast %shift_right_arithmetic3A_258 : i32 to vector<16xi32>
    %shift_right_arithmetic3A_260 = arith.shrsi %add3A_257, %shift_right_arithmetic3A_259 : vector<16xi32>
    %mul3A_261 = arith.constant 256000 : i32
    %mul3A_262 = vector.broadcast %mul3A_261 : i32 to vector<16xi32>
    %mul3A_263 = arith.muli %shift_right_arithmetic3A_260, %mul3A_262 : vector<16xi32>
    %shift_right_arithmetic3A_264 = arith.constant 7 : i32
    %shift_right_arithmetic3A_265 = vector.broadcast %shift_right_arithmetic3A_264 : i32 to vector<16xi32>
    %shift_right_arithmetic3A_266 = arith.shrsi %get3A_252, %shift_right_arithmetic3A_265 : vector<16xi32>
    %mul3A_267 = arith.constant 1024 : i32
    %mul3A_268 = vector.broadcast %mul3A_267 : i32 to vector<16xi32>
    %mul3A_269 = arith.muli %shift_right_arithmetic3A_266, %mul3A_268 : vector<16xi32>
    %add3A_270 = arith.addi %mul3A_263, %mul3A_269 : vector<16xi32>
    %and3A_271 = arith.constant 7 : i32
    %and3A_272 = vector.broadcast %and3A_271 : i32 to vector<16xi32>
    %and3A_273 = arith.andi %add3A_257, %and3A_272 : vector<16xi32>
    %mul3A_274 = arith.constant 128 : i32
    %mul3A_275 = vector.broadcast %mul3A_274 : i32 to vector<16xi32>
    %mul3A_276 = arith.muli %and3A_273, %mul3A_275 : vector<16xi32>
    %add3A_277 = arith.addi %add3A_270, %mul3A_276 : vector<16xi32>
    %and3A_278 = arith.constant 127 : i32
    %and3A_279 = vector.broadcast %and3A_278 : i32 to vector<16xi32>
    %and3A_280 = arith.andi %get3A_252, %and3A_279 : vector<16xi32>
    %add3A_281 = arith.addi %add3A_277, %and3A_280 : vector<16xi32>
    %swap3A_282 = arith.constant 112 : index
    %swap3A_283 = tpu.vector_load %arg6[%swap3A_282] {strides = array<i32>} : memref<128xi32, #tpu.memory_space<vmem>>, vector<16xi32>,
    %swap3A_284 = vector.shape_cast %swap3A_283 : vector<16xi32> to vector<16xi32>
    %swap3A_285 = vector.shape_cast %add3A_281 : vector<16xi32> to vector<16xi32>
    tpu.vector_store %arg6[%swap3A_282], %swap3A_285 {strides = array<i32>} : memref<128xi32, #tpu.memory_space<vmem>>, vector<16xi32>,
    %dma_start3A = arith.constant 0 : i32
    %dma_start3A_286 = tpu.memref_slice %arg2[%dma_start3A] : memref<131072000xf32, #tpu.memory_space<hbm>> -> memref<131072000xf32, #tpu.memory_space<hbm>>
    tpu.enqueue_indirect_dma source(%dma_start3A_286 : memref<131072000xf32, #tpu.memory_space<hbm>>) target(%arg7 : memref<128xf32, #tpu.memory_space<vmem>>) offsets(%arg6 : memref<128xi32, #tpu.memory_space<vmem>>) semaphore(%arg8 : memref<!tpu.dma_semaphore, #tpu.memory_space<semaphore_mem>>)
    %dma_wait3A = arith.constant 0 : i32
    %dma_wait3A_287 = tpu.memref_slice %arg2[%dma_wait3A] : memref<131072000xf32, #tpu.memory_space<hbm>> -> memref<131072000xf32, #tpu.memory_space<hbm>>
    tpu.wait_indirect_dma semaphore(%arg8 : memref<!tpu.dma_semaphore, #tpu.memory_space<semaphore_mem>>) src(%dma_wait3A_287 : memref<131072000xf32, #tpu.memory_space<hbm>>) dst(%arg7 : memref<128xf32, #tpu.memory_space<vmem>>)
    "tpu.region"() ({
      %run_scoped3A = tpu.sem_alloc : memref<!tpu.dma_semaphore, #tpu.memory_space<semaphore_mem>>
      %dma_start3A_288 = arith.constant 0 : i32
      %dma_start3A_289 = tpu.memref_slice %arg4[%add3A, %dma_start3A_288] : memref<32x128xf32, #tpu.memory_space<hbm>> -> memref<1x128xf32, #tpu.memory_space<hbm>>
      %dma_start3A_290 = tpu.memref_squeeze %dma_start3A_289 : memref<1x128xf32, #tpu.memory_space<hbm>> -> memref<128xf32, #tpu.memory_space<hbm>>
      %dma_start3A_291 = arith.constant 0 : i32
      %dma_start3A_292 = tpu.memref_slice %arg4[%add3A, %dma_start3A_291] : memref<32x128xf32, #tpu.memory_space<hbm>> -> memref<1x128xf32, #tpu.memory_space<hbm>>
      %dma_start3A_293 = tpu.memref_squeeze %dma_start3A_292 : memref<1x128xf32, #tpu.memory_space<hbm>> -> memref<128xf32, #tpu.memory_space<hbm>>
      tpu.enqueue_dma source(%arg7 : memref<128xf32, #tpu.memory_space<vmem>>) target(%dma_start3A_293 : memref<128xf32, #tpu.memory_space<hbm>>) target_semaphore(%run_scoped3A : memref<!tpu.dma_semaphore, #tpu.memory_space<semaphore_mem>>)
      %dma_wait3A_294 = arith.constant 0 : i32
      %dma_wait3A_295 = tpu.memref_slice %arg4[%add3A, %dma_wait3A_294] : memref<32x128xf32, #tpu.memory_space<hbm>> -> memref<1x128xf32, #tpu.memory_space<hbm>>
      %dma_wait3A_296 = tpu.memref_squeeze %dma_wait3A_295 : memref<1x128xf32, #tpu.memory_space<hbm>> -> memref<128xf32, #tpu.memory_space<hbm>>
      %dma_wait3A_297 = arith.constant 0 : i32
      %dma_wait3A_298 = tpu.memref_slice %arg4[%add3A, %dma_wait3A_297] : memref<32x128xf32, #tpu.memory_space<hbm>> -> memref<1x128xf32, #tpu.memory_space<hbm>>
      %dma_wait3A_299 = tpu.memref_squeeze %dma_wait3A_298 : memref<1x128xf32, #tpu.memory_space<hbm>> -> memref<128xf32, #tpu.memory_space<hbm>>
      tpu.wait_dma2 semaphore(%run_scoped3A : memref<!tpu.dma_semaphore, #tpu.memory_space<semaphore_mem>>) src(%arg7 : memref<128xf32, #tpu.memory_space<vmem>>) dst(%dma_wait3A_299 : memref<128xf32, #tpu.memory_space<hbm>>)
      tpu.yield
    }) : () -> ()
    return
  }
}

module attributes {stable_mosaic.version = 14 : i64} {
  func.func @_tc_body(%arg0: i32, %arg1: memref<128x1xi32, #tpu.memory_space<vmem>>, %arg2: memref<128x1xf32, #tpu.memory_space<vmem>>, %arg3: memref<128x32000xf32, #tpu.memory_space<vmem>>, %arg4: memref<1x1xf32, #tpu.memory_space<smem>>) attributes {dimension_semantics = [#tpu.dimension_semantics<arbitrary>], iteration_bounds = array<i64: 32>, scalar_prefetch = 0 : i64, scratch_operands = 0 : i64, tpu.core_type = #tpu.core_type<tc>, window_params = [{transform_indices = @transform_0, window_bounds = array<i64: 128, 1>}, {transform_indices = @transform_1, window_bounds = array<i64: 128, 1>}, {transform_indices = @transform_2, window_bounds = array<i64: 128, 32000>}, {transform_indices = @transform_3, window_bounds = array<i64: 1, 1>}]} {
    %get3A = arith.constant 0 : index
    %get3A_0 = arith.constant 0 : index
    %get3A_1 = vector.load %arg3[%get3A, %get3A_0] : memref<128x32000xf32, #tpu.memory_space<vmem>>, vector<128x32000xf32>
    %get3A_2 = arith.constant 0 : index
    %get3A_3 = arith.constant 0 : index
    %get3A_4 = vector.load %arg1[%get3A_2, %get3A_3] : memref<128x1xi32, #tpu.memory_space<vmem>>, vector<128x1xi32>
    %ne3A = arith.constant 0 : i32
    %ne3A_5 = vector.broadcast %ne3A : i32 to vector<128x1xi32>
    %ne3A_6 = arith.cmpi ne, %get3A_4, %ne3A_5 : vector<128x1xi32>
    %reduce_sum3A = arith.constant dense<0.000000e+00> : vector<128xf32>
    %reduce_sum3A_7 = vector.multi_reduction <add>, %get3A_1, %reduce_sum3A [1] : vector<128x32000xf32> to vector<128xf32>
    %broadcast_in_dim3A = vector.shape_cast %reduce_sum3A_7 : vector<128xf32> to vector<128x1xf32>
    %jit3A = arith.constant 0.000000e+00 : f32
    %broadcast_in_dim3A_8 = vector.broadcast %jit3A : f32 to vector<128x1xf32>
    %select_n3A = arith.select %ne3A_6, %broadcast_in_dim3A, %broadcast_in_dim3A_8 : vector<128x1xi1>, vector<128x1xf32>
    %reduce_sum3A_9 = vector.shape_cast %select_n3A : vector<128x1xf32> to vector<1x128x1xf32>
    %reduce_sum3A_10 = arith.constant dense<0.000000e+00> : vector<1xf32>
    %reduce_sum3A_11 = vector.multi_reduction <add>, %reduce_sum3A_9, %reduce_sum3A_10 [1, 2] : vector<1x128x1xf32> to vector<1xf32>
    %reduce_sum3A_12 = vector.shape_cast %reduce_sum3A_11 : vector<1xf32> to vector<1x1x1xf32>
    %reduce_sum3A_13 = vector.extract %reduce_sum3A_12[0, 0, 0] : f32 from vector<1x1x1xf32>
    %slice3A = vector.extract_strided_slice %get3A_1 {offsets = [0, 0], sizes = [128, 1], strides = [1, 1]} : vector<128x32000xf32> to vector<128x1xf32>
    %jit3A_14 = arith.constant 0.000000e+00 : f32
    %broadcast_in_dim3A_15 = vector.broadcast %jit3A_14 : f32 to vector<128x1xf32>
    %select_n3A_16 = arith.select %ne3A_6, %slice3A, %broadcast_in_dim3A_15 : vector<128x1xi1>, vector<128x1xf32>
    %reduce_sum3A_17 = vector.shape_cast %select_n3A_16 : vector<128x1xf32> to vector<1x128x1xf32>
    %reduce_sum3A_18 = arith.constant dense<0.000000e+00> : vector<1xf32>
    %reduce_sum3A_19 = vector.multi_reduction <add>, %reduce_sum3A_17, %reduce_sum3A_18 [1, 2] : vector<1x128x1xf32> to vector<1xf32>
    %reduce_sum3A_20 = vector.shape_cast %reduce_sum3A_19 : vector<1xf32> to vector<1x1x1xf32>
    %reduce_sum3A_21 = vector.extract %reduce_sum3A_20[0, 0, 0] : f32 from vector<1x1x1xf32>
    %convert_element_type3A = arith.extui %ne3A_6 : vector<128x1xi1> to vector<128x1xi32>
    %convert_element_type3A_22 = arith.sitofp %convert_element_type3A : vector<128x1xi32> to vector<128x1xf32>
    %reduce_sum3A_23 = vector.shape_cast %convert_element_type3A_22 : vector<128x1xf32> to vector<1x128x1xf32>
    %reduce_sum3A_24 = arith.constant dense<0.000000e+00> : vector<1xf32>
    %reduce_sum3A_25 = vector.multi_reduction <add>, %reduce_sum3A_23, %reduce_sum3A_24 [1, 2] : vector<1x128x1xf32> to vector<1xf32>
    %reduce_sum3A_26 = vector.shape_cast %reduce_sum3A_25 : vector<1xf32> to vector<1x1x1xf32>
    %reduce_sum3A_27 = vector.extract %reduce_sum3A_26[0, 0, 0] : f32 from vector<1x1x1xf32>
    %get3A_28 = arith.constant 0 : index
    %get3A_29 = arith.constant 0 : index
    %get3A_30 = vector.load %arg2[%get3A_28, %get3A_29] : memref<128x1xf32, #tpu.memory_space<vmem>>, vector<128x1xf32>
    %jit3A_31 = arith.constant 0.000000e+00 : f32
    %broadcast_in_dim3A_32 = vector.broadcast %jit3A_31 : f32 to vector<128x1xf32>
    %select_n3A_33 = arith.select %ne3A_6, %get3A_30, %broadcast_in_dim3A_32 : vector<128x1xi1>, vector<128x1xf32>
    %reduce_sum3A_34 = vector.shape_cast %select_n3A_33 : vector<128x1xf32> to vector<1x128x1xf32>
    %reduce_sum3A_35 = arith.constant dense<0.000000e+00> : vector<1xf32>
    %reduce_sum3A_36 = vector.multi_reduction <add>, %reduce_sum3A_34, %reduce_sum3A_35 [1, 2] : vector<1x128x1xf32> to vector<1xf32>
    %reduce_sum3A_37 = vector.shape_cast %reduce_sum3A_36 : vector<1xf32> to vector<1x1x1xf32>
    %reduce_sum3A_38 = vector.extract %reduce_sum3A_37[0, 0, 0] : f32 from vector<1x1x1xf32>
    %mul3A = arith.constant -1.3624258 : f32
    %mul3A_39 = arith.mulf %mul3A, %reduce_sum3A_27 : f32
    %sub3A = arith.subf %reduce_sum3A_13, %reduce_sum3A_21 : f32
    %mul3A_40 = arith.constant 3.12519524E-6 : f32
    %mul3A_41 = arith.mulf %mul3A_40, %sub3A : f32
    %sub3A_42 = arith.subf %mul3A_39, %mul3A_41 : f32
    %mul3A_43 = arith.constant 0.899996876 : f32
    %mul3A_44 = arith.mulf %mul3A_43, %reduce_sum3A_38 : f32
    %sub3A_45 = arith.subf %sub3A_42, %mul3A_44 : f32
    %eq3A = arith.constant 0 : i32
    %eq3A_46 = arith.cmpi eq, %arg0, %eq3A : i32
    %convert_element_type3A_47 = arith.extui %eq3A_46 : i1 to i32
    %cond3A = arith.constant 0 : i32
    %cond3A_48 = arith.cmpi ne, %convert_element_type3A_47, %cond3A : i32
    scf.if %cond3A_48 {
      %swap3A = arith.constant 0 : index
      %swap3A_54 = arith.constant 0 : index
      %swap3A_55 = memref.load %arg4[%swap3A, %swap3A_54] : memref<1x1xf32, #tpu.memory_space<smem>>
      memref.store %sub3A_45, %arg4[%swap3A, %swap3A_54] : memref<1x1xf32, #tpu.memory_space<smem>>
    } else {
    }
    %ne3A_49 = arith.constant 0 : i32
    %ne3A_50 = arith.cmpi ne, %arg0, %ne3A_49 : i32
    %convert_element_type3A_51 = arith.extui %ne3A_50 : i1 to i32
    %cond3A_52 = arith.constant 0 : i32
    %cond3A_53 = arith.cmpi ne, %convert_element_type3A_51, %cond3A_52 : i32
    scf.if %cond3A_53 {
      %get3A_54 = arith.constant 0 : index
      %get3A_55 = arith.constant 0 : index
      %get3A_56 = memref.load %arg4[%get3A_54, %get3A_55] : memref<1x1xf32, #tpu.memory_space<smem>>
      %add3A = arith.addf %get3A_56, %sub3A_45 : f32
      %swap3A = arith.constant 0 : index
      %swap3A_57 = arith.constant 0 : index
      %swap3A_58 = memref.load %arg4[%swap3A, %swap3A_57] : memref<1x1xf32, #tpu.memory_space<smem>>
      memref.store %add3A, %arg4[%swap3A, %swap3A_57] : memref<1x1xf32, #tpu.memory_space<smem>>
    } else {
    }
    return
  }
  func.func @transform_0(%arg0: i32) -> (i32, i32) {
    %c0_i32 = arith.constant 0 : i32
    %c0_i32_0 = arith.constant 0 : i32
    return %arg0, %c0_i32 : i32, i32
  }
  func.func @transform_1(%arg0: i32) -> (i32, i32) {
    %c0_i32 = arith.constant 0 : i32
    %c0_i32_0 = arith.constant 0 : i32
    return %arg0, %c0_i32 : i32, i32
  }
  func.func @transform_2(%arg0: i32) -> (i32, i32) {
    %c0_i32 = arith.constant 0 : i32
    %c0_i32_0 = arith.constant 0 : i32
    return %arg0, %c0_i32 : i32, i32
  }
  func.func @transform_3(%arg0: i32) -> (i32, i32) {
    %c0_i32 = arith.constant 0 : i32
    %c0_i32_0 = arith.constant 0 : i32
    %c0_i32_1 = arith.constant 0 : i32
    return %c0_i32, %c0_i32_0 : i32, i32
  }
}

</mosaic_0001>

<sc_bundles>
// kernel: kernel.4.cloned.1.call-start
scs
__scs_entry_jumppad:
0x0: {  	(pc) =	sbr.rel $0x88, $3  }
0x1: {  	(tag) =	ssettag $0x0;
	lr =	simm.s32 $0x1  }
0x2: {  	[smem:$0x3F9F] =	sst lr;
	_ =	strace $0xD0000000  }
0x3: {  	_ = 	snop  }
0x4: {  	_ = 	snop  }
0x5: {  	_ = 	snop  }
0x6: {  	_ = 	snop  }
0x7: {  	_ = 	snop  }
__scs_overlays_trampoline_lowered:
0x8: {  	[smem:$0x3FAE] =	sst s0  }
0x9: {  	[smem:$0x3FAF] =	sst s1  }
0xa: {  	[smem:$0x3FB0] =	sst s2  }
0xb: {  	[smem:$0x3FB1] =	sst s3  }
0xc: {  	[smem:$0x3FB2] =	sst s4  }
0xd: {  	[smem:$0x3FB3] =	sst s5  }
0xe: {  	[smem:$0x3FB4] =	sst s6  }
0xf: {  	[smem:$0x3FB5] =	sst s7  }
0x10: {  	[smem:$0x3FB6] =	sst s8  }
0x11: {  	[smem:$0x3FB7] =	sst s9;
	s0 =	simm.s32 @!p0 $0x0  }
0x12: {  	s1 =	sld [smem:$0x3F9D];
	s0 =	simm.s32 @p0 $0x1  }
0x13: {  	[smem:$0x3FB8] =	sst s0;
	s0 =	simm.s32 @!p1 $0x0  }
0x14: {  	s2 =	sld [smem:$0x3F9C];
	s0 =	simm.s32 @p1 $0x1  }
0x15: {  	[smem:$0x3FB9] =	sst s0;
	s0 =	simm.s32 @!p2 $0x0  }
0x16: {  	s3 =	sld [smem:$0x3FDB];
	s0 =	simm.s32 @p2 $0x1  }
0x17: {  	s4 =	simm.s32 $0x1BF5;
	[smem:$0x3FBB] =	sst s0  }
0x18: {  	s0 =	sld [smem:$0x3F9E];
	_ =	swait.ge [sflag:s4], $0x0  }
0x19: {  	s7 =	sld [smem:$0x3F9F]  }
0x1a: {  	s8 =	sadd.s32 $0xFFFFE003, lr  }
0x1b: {  	s9 =	sadd.s32 $0xFFFFFEF7, lr;
	s5 =	simm.s32 $0xFFFFFFFF;
	p2 =	slt.u32 s8, $0xFFFFF086  }
0x1c: {  	p1 =	slt.u32 s9, $0xF7A;
	s5 =	simm.s32 @!p2 $0x0  }
0x1d: {  	s5 =	simm.s32 @p1 $0x1;
	p0 =	seq.s32 s7, s2  }
0x1e: {  	s7 =	smul.u32 @!p0 $0xF7A, s2;
	p2 =	seq.s32 @!p0 s5, $0x0  }
0x1f: {  	s9 =	smul.u32 $0xF7A, s1;
	s8 =	simm.s32 @!p0 $0x1BF5;
	p2 =	por !p2, p0  }
0x20: {  	[sflag:s8] =	ssyncset.s32 @!p0 $0xFFFFF086;
	s6 =	sadd.s32 @!p0 s3, s7;
	s7 =	simm.s32 @!p0 $0x108  }
0x21: {  	s3 =	sadd.s32 s3, s9;
	s6 =	sadd.s32 @!p0 $0x88, s6;
	s7 =	simm.s32 @p2 $0x1082  }
0x22: {  	[simem:s7], [sflag:s8] =	dma.local @!p0 [hbm:s6], $0xF7A  }
0x23: {  	s9 =	sor.u32 $0xD0000000, s2;
	s6 =	simm.s32 $0x108;
	_ =	swait.ge @!p0 [sflag:s8], $0x0  }
0x24: {  	s3 =	sadd.s32 $0x88, s3;
	s6 =	simm.s32 @!p1 $0x1082;
	[sflag:s4] =	ssyncset.s32 $0xFFFFF086  }
0x25: {  	[simem:s6], [sflag:s4] =	dma.local [hbm:s3], $0xF7A  }
0x26: {  	[smem:$0x3F9F] =	sst s1;
	(tag) =	ssettag s2;
	_ =	strace s9  }
0x27: {  	s1 =	sld [smem:$0x3FAF]  }
0x28: {  	s2 =	sld [smem:$0x3FB0]  }
0x29: {  	s4 =	sld [smem:$0x3FB2]  }
0x2a: {  	p0 =	seq.s32 s5, $0x0;
	s5 =	sld [smem:$0x3FB3]  }
0x2b: {  	s6 =	sld [smem:$0x3FB4]  }
0x2c: {  	s7 =	sld [smem:$0x3FB5]  }
0x2d: {  	s3 =	simm.s32 $0x108;
	s8 =	sld [smem:$0x3FB6]  }
0x2e: {  	s3 =	simm.s32 @!p0 $0x1082;
	s9 =	sld [smem:$0x3FB7]  }
0x2f: {  	lr =	sadd.s32 s0, s3;
	s0 =	sld [smem:$0x3FAE]  }
0x30: {  	s3 =	sld [smem:$0x3FB1]  }
0x31: {  	[smem:$0x3FBA] =	sst s10  }
0x32: {  	s10 =	sld [smem:$0x3FB8];
	_ =	sdelay $0x3  }
0x33: {  	p0 =	seq.s32 s10, $0x1;
	s10 =	sld [smem:$0x3FBA];
	_ =	sdelay $0x3  }
0x34: {  	[smem:$0x3FBA] =	sst s10  }
0x35: {  	s10 =	sld [smem:$0x3FB9];
	_ =	sdelay $0x3  }
0x36: {  	p1 =	seq.s32 s10, $0x1;
	s10 =	sld [smem:$0x3FBA];
	_ =	sdelay $0x3  }
0x37: {  	[smem:$0x3FBA] =	sst s10  }
0x38: {  	s10 =	sld [smem:$0x3FBB]  }
0x39: {  	_ = 	snop;
	(pc) =	sbr.ind lr, $3  }
0x3a: {  	_ = 	snop  }
0x3b: {  	_ = 	snop  }
0x3c: {  	p2 =	seq.s32 s10, $0x1;
	s10 =	sld [smem:$0x3FBA]  }
0x3d: {  	_ =	shalt  }
0x3e: {  	_ =	shalt  }
0x3f: {  	_ =	shalt  }
0x40: {  	_ =	shalt  }
0x41: {  	_ =	shalt  }
0x42: {  	_ =	shalt  }
0x43: {  	_ =	shalt  }
0x44: {  	_ =	shalt  }
0x45: {  	_ =	shalt  }
0x46: {  	_ =	shalt  }
0x47: {  	_ =	shalt  }
0x48: {  	_ =	shalt  }
0x49: {  	_ =	shalt  }
0x4a: {  	_ =	shalt  }
0x4b: {  	_ =	shalt  }
0x4c: {  	_ =	shalt  }
0x4d: {  	_ =	shalt  }
0x4e: {  	_ =	shalt  }
0x4f: {  	_ =	shalt  }
0x50: {  	_ =	shalt  }
0x51: {  	_ =	shalt  }
0x52: {  	_ =	shalt  }
0x53: {  	_ =	shalt  }
0x54: {  	_ =	shalt  }
0x55: {  	_ =	shalt  }
0x56: {  	_ =	shalt  }
0x57: {  	_ =	shalt  }
0x58: {  	_ =	shalt  }
0x59: {  	_ =	shalt  }
0x5a: {  	_ =	shalt  }
0x5b: {  	_ =	shalt  }
0x5c: {  	_ =	shalt  }
0x5d: {  	_ =	shalt  }
0x5e: {  	_ =	shalt  }
0x5f: {  	_ =	shalt  }
0x60: {  	_ =	shalt  }
0x61: {  	_ =	shalt  }
0x62: {  	_ =	shalt  }
0x63: {  	_ =	shalt  }
0x64: {  	_ =	shalt  }
0x65: {  	_ =	shalt  }
0x66: {  	_ =	shalt  }
0x67: {  	_ =	shalt  }
0x68: {  	_ =	shalt  }
0x69: {  	_ =	shalt  }
0x6a: {  	_ =	shalt  }
0x6b: {  	_ =	shalt  }
0x6c: {  	_ =	shalt  }
0x6d: {  	_ =	shalt  }
0x6e: {  	_ =	shalt  }
0x6f: {  	_ =	shalt  }
0x70: {  	_ =	shalt  }
0x71: {  	_ =	shalt  }
0x72: {  	_ =	shalt  }
0x73: {  	_ =	shalt  }
0x74: {  	_ =	shalt  }
0x75: {  	_ =	shalt  }
0x76: {  	_ =	shalt  }
0x77: {  	_ =	shalt  }
0x78: {  	_ =	shalt  }
0x79: {  	_ =	shalt  }
0x7a: {  	_ =	shalt  }
0x7b: {  	_ =	shalt  }
0x7c: {  	_ =	shalt  }
0x7d: {  	_ =	shalt  }
0x7e: {  	_ =	shalt  }
0x7f: {  	_ =	shalt  }
0x80: {  	_ =	shalt  }
0x81: {  	_ =	shalt  }
0x82: {  	_ =	shalt  }
0x83: {  	_ =	shalt  }
0x84: {  	_ =	shalt  }
0x85: {  	_ =	shalt  }
0x86: {  	_ =	shalt  }
0x87: {  	_ =	shalt  }
.Lfunc_end0:
.L_simem_size_0:
called_computation_lowered:
.L_overlay_start_0:
0x88: {  	s2 =	sld [smem:$0x3FD9]  }
0x89: {  	s3 =	sld [smem:$0x3FFE];
	_ =	sdelay $0x1  }
0x8a: {  	s1 =	srdreg.scid  }
0x8b: {  	s0 =	sand.u32 $0x1, s1  }
0x8c: {  	s17 =	sshll.u32 s0, $0xA;
	s2 =	sadd.s32 s3, s2  }
0x8d: {  	s2 =	sadd.s32 s2, s17  }
0x8e: {  	[smem:$0x3FC6] =	sst s2  }
0x8f: {  	_ = 	snop  }
0x90: {  	s2 =	sld [smem:$0x3FC9]  }
0x91: {  	s18 =	sld [smem:$0x3FC8];
	(tm) =	ssettm $0x1  }
0x92: {  	s4 =	sld [smem:$0x3FFB];
	_ =	sdelay $0x3  }
0x93: {  	_ =	strace s4  }
0x94: {  	s4 =	sld [smem:$0x3FFC];
	_ =	sdelay $0x3  }
0x95: {  	_ =	strace s4  }
0x96: {  	s4 =	sld [smem:$0x3FFD];
	_ =	sdelay $0x3  }
0x97: {  	_ =	strace s4  }
0x98: {  	_ =	strace $0x8FFFFFFF  }
0x99: {  	s19 =	sld [smem:$0x3FDB];
	_ =	sdelay $0x1  }
0x9a: {  	s5 =	simm.s32 $_scs_section_size  }
0x9b: {  	s6 =	simm.s32 $_size__tile_overlayer_lowered;
	s7 =	simm.s32 $_tile_overlayer_lowered  }
0x9c: {  	s22 =	simm.s32 $0x1BFF;
	s21 =	sshll.u32 s7, $0x1;
	s4 =	sadd.s32 s5, s19  }
0x9d: {  	s8 =	simm.s32 $0x0;
	s20 =	sshll.u32 s6, $0x1;
	s6 =	sadd.s32 s21, s4  }
0x9e: {  	[timem:s8], [sflag:s22] =	dma.local [hbm:s6], s20  }
0x9f: {  	_ =	swait.ge [sflag:s22], s20  }
0xa0: {  	s5 =	ssub.s32 $0x0, s20;
	[sflag:s22] =	ssyncset.done $0x0  }
0xa1: {  	[sflag:s22] =	ssyncadd.s32 s5;
	_ =	sdelay $0x1  }
0xa2: {  	s23 =	simm.s32 $0x1B8B  }
0xa3: {  	_ =	swait.ge [sflag:s23], $0x1  }
0xa4: {  	[sflag:s23] =	ssyncset.done $0x0  }
0xa5: {  	s25 =	simm.s32 $0x1B8E;
	s24 =	sld [smem:$0x3FFE];
	[sflag:s23] =	ssyncadd.s32 $0xFFFFFFFF  }
0xa6: {  	s26 =	simm.s32 $execute0_lowered;
	[smem:$0x3FD2] =	sst s25  }
0xa7: {  	s6 =	sshll.u32 s26, $0x1;
	_ =	strace $0x80000046;
	[dreg:$0x1] =	wrdreg $0xFFFFFFFF  }
0xa8: {  	s28 =	simm.s32 $_size_execute0_lowered;
	s4 =	sadd.s32 s4, s6;
	[dreg:$0x0] =	wrdreg $0x0  }
0xa9: {  	s6 =	sshll.u32 s28, $0x1;
	[dreg:$0x2] =	wrdreg s4  }
0xaa: {  	[dreg:$0x3] =	wrdreg s6  }
0xab: {  	[dreg:$0x4] =	wrdreg $0xC0  }
0xac: {  	_ =	task [dreg:s8], $0x5FFFF  }
0xad: {  	[dreg:$0x1] =	wrdreg $0xFFFFFFFF  }
0xae: {  	[dreg:$0x0] =	wrdreg $0x60  }
0xaf: {  	[dreg:$0x2] =	wrdreg s2  }
0xb0: {  	[dreg:$0x3] =	wrdreg s18  }
0xb1: {  	[dreg:$0x4] =	wrdreg s24  }
0xb2: {  	[dreg:$0x5] =	wrdreg $0x9  }
0xb3: {  	_ =	task.clear_ibuf [dreg:s8], $0x6FFFF;
	_ =	strace $0x90000046  }
0xb4: {  	s29 =	simm.s32 $0x9;
	_ =	strace $0x80000048  }
0xb5: {  	_ =	swait.ge [sflag:s29], $0x1  }
0xb6: {  	[sflag:s29] =	ssyncadd.s32 $0xFFFFFFFF  }
0xb7: {  	_ =	strace $0x90000048  }
0xb8: {  	_ =	sfence  }
0xb9: {  	s30 =	sld [smem:$0x0];
	_ =	sdelay $0x2  }
0xba: {  	s31 =	sshll.u32 s1, $0xD;
	s1 =	sshrl.u32 s1, $0x2  }
0xbb: {  	s3 =	sand.u32 $0x4000, s31;
	s1 =	sadd.s32 s1, s30  }
0xbc: {  	s0 =	sor.u32 s3, s0;
	s1 =	sshll.u32 s1, $0x11  }
0xbd: {  	s0 =	sor.u32 s1, s0  }
0xbe: {  	s0 =	sadd.s32 $0x8F2B, s0  }
0xbf: {  	[sflag:s0] =	ssyncadd.remote.s32 $0x1  }
0xc0: {  	_ =	sfence.sel $0xFFFF  }
0xc1: {  	[dreg:$0x0] =	wrdreg $0xFFFFFFFF;
	(pc) =	sbr.abs _section_cstart, $3  }
0xc2: {  	[dreg:$0x1] =	wrdreg $0xFFFFFFFF  }
0xc3: {  	_ =	task.clear_ibuf [dreg:s8], $0x2FFFF;
	_ =	strace $0x9FFFFFFF  }
0xc4: {  	(tm) =	ssettm $0x7FFFFFFF  }
0xc5: {  	_ =	shalt  }
tec
execute0_lowered:
.L_overlay_start_1:
0x0: {  	(tag) =	ssettag $0x1  }
0x1: {  	s2 =	rddreg [dreg:$0x0];
	s1 =	srdreg.scid  }
0x2: {  	s0 =	stileid.u32;
	s4 =	rddreg [dreg:$0x1]  }
0x3: {  	s6 =	rddreg [dreg:$0x2];
	s8 =	sand.u32 $0x1, s1;
	s24 =	sshll.u32 s0, $0x1  }
0x4: {  	s3 =	simm.s32 $0x0;
	s1 =	rddreg [dreg:$0x3];
	s5 =	sor.u32 s8, s24  }
0x5: {  	[smem:$0x7FF] =	sst s3;
	s9 =	sshll.u32 s5, $0x7;
	s7 =	sshll.u32 s5, $0x4  }
0x6: {  	v2 =	vlaneseq.u32;
	_ =	strace $0x80000047;
	s10 =	sor.u32 $0x10, s9;
	s5 =	sadd.s32 s4, s7  }
0x7: {  	v1 =	vand.u32 $0x7, v2;
	s11 =	sor.u32 $0x30, s9;
	s4 =	simm.s32 $0x2;
	s26 =	sor.u32 $0x40, s9  }
0x8: {  	v7 =	vmul.u32 $0x80, v1;
	v0 =	vor.u32 s9, v2;
	[tilespmem:s3], [sflag:$0x2] =	stream.linear.gather [hbm4b:s5+s3], $0x80, $0x38;
	[tilespmem:$0x180] =	vst v63  }
0x9: {  	s28 =	sor.u32 $0x50, s9;
	s29 =	sor.u32 $0x60, s9;
	v0 =	vshrl.u32 v0, $0x3;
	v3 =	vor.u32 s10, v2;
	v4 =	vor.u32 s11, v2;
	_ =	swait.ge [sflag:s4], $0x80  }
0xa: {  	s25 =	sor.u32 $0x20, s9;
	v5 =	vor.u32 s26, v2;
	v6 =	vor.u32 s28, v2;
	v8 =	vor.u32 s29, v2;
	[sflag:s4] =	ssyncset.done $0x0  }
0xb: {  	v0 =	vmul.u32 $0x3E800, v0;
	v1 =	vshrl.u32 v3, $0x3;
	v3 =	vor.u32 s25, v2;
	[sflag:s4] =	ssyncadd.s32 $0xFFFFFF80  }
0xc: {  	s9 =	sor.u32 $0x70, s9;
	v4 =	vshrl.u32 v4, $0x3;
	v5 =	vshrl.u32 v5, $0x3;
	v6 =	vshrl.u32 v6, $0x3;
	v9 =	vld [tilespmem:$0x70]  }
0xd: {  	v8 =	vshrl.u32 v8, $0x3;
	v2 =	vor.u32 s9, v2;
	v1 =	vmul.u32 $0x3E800, v1;
	v10 =	vld [tilespmem:$0x60]  }
0xe: {  	v3 =	vshrl.u32 v3, $0x3;
	v4 =	vmul.u32 $0x3E800, v4;
	v5 =	vmul.u32 $0x3E800, v5;
	v12 =	vld [tilespmem:$0x20]  }
0xf: {  	v6 =	vmul.u32 $0x3E800, v6;
	v11 =	vshrl.u32 v2, $0x3;
	v3 =	vmul.u32 $0x3E800, v3;
	v13 =	vld [tilespmem:$0x40]  }
0x10: {  	v8 =	vmul.u32 $0x3E800, v8;
	v0 =	vor.u32 v7, v0;
	v11 =	vmul.u32 $0x3E800, v11;
	v14 =	vld [tilespmem:$0x10]  }
0x11: {  	v1 =	vor.u32 v7, v1;
	v5 =	vor.u32 v7, v5;
	v2 =	vor.u32 v7, v3  }
0x12: {  	v3 =	vor.u32 v7, v4;
	v4 =	vor.u32 v7, v6;
	v6 =	vor.u32 v7, v8  }
0x13: {  	v7 =	vor.u32 v7, v11;
	v8 =	vshll.u32 v9, $0x3;
	v9 =	vand.u32 $0x7F, v9  }
0x14: {  	v11 =	vld [tilespmem:$0x0];
	v16 =	vshll.u32 v10, $0x3;
	v10 =	vand.u32 $0x7F, v10;
	v17 =	vand.u32 $0x7F, v12  }
0x15: {  	s8 =	ssub.s32 $0x2, s8;
	v12 =	vshll.u32 v12, $0x3;
	v19 =	vand.u32 $0x7F, v14;
	v20 =	vshll.u32 v13, $0x3  }
0x16: {  	s30 =	sshrl.u32 s8, $0x1;
	v15 =	vld [tilespmem:$0x30];
	v14 =	vshll.u32 v14, $0x3;
	v13 =	vand.u32 $0x7F, v13;
	v8 =	vand.u32 $0xFFFFFC00, v8  }
0x17: {  	s8 =	ssub.s32 s8, s30;
	v16 =	vand.u32 $0xFFFFFC00, v16;
	v62 =	vand.u32 $0xFFFFFC00, v20;
	v18 =	vadd.s32 v7, v8  }
0x18: {  	s31 =	smax.u32 s8, $0x1;
	v8 =	vld [tilespmem:$0x50];
	v16 =	vadd.s32 v6, v16;
	v18 =	vor.u32 v9, v18;
	v9 =	vand.u32 $0xFFFFFC00, v12  }
0x19: {  	p0 =	sne.s32 s31, $0x1;
	v12 =	vor.u32 v10, v16;
	v10 =	vand.u32 $0x7F, v11;
	v11 =	vshll.u32 v11, $0x3  }
.Ltmp0:
0x1a: {  	v9 =	vadd.s32 v2, v9;
	[tilespmem:$0xE0] =	vst v12;
	v12 =	vand.u32 $0xFFFFFC00, v11;
	v11 =	vand.u32 $0xFFFFFC00, v14;
	(pc) =	sbr.rel @!p0 .LBB2_2-.Ltmp0, $4  }
0x1b: {  	v61 =	vor.u32 v17, v9;
	v9 =	vand.u32 $0x7F, v15;
	v17 =	vadd.s32 v5, v62  }
0x1c: {  	s6 =	sadd.s32 s7, s6;
	[tilespmem:$0xF0] =	vst v18;
	v15 =	vshll.u32 v15, $0x3;
	v14 =	vadd.s32 v1, v11;
	v13 =	vor.u32 v13, v17  }
0x1d: {  	s7 =	simm.s32 $0x80;
	s6 =	sadd.s32 $0x600, s6;
	[tilespmem:$0xA0] =	vst v61;
	v15 =	vand.u32 $0xFFFFFC00, v15;
	v14 =	vor.u32 v19, v14;
	v63 =	vshll.u32 v8, $0x3  }
0x1e: {  	s8 =	simm.s32 $0x100;
	s9 =	simm.s32 $0x1;
	s10 =	sadd.s32 $0xFFFFFFFF, s31;
	[tilespmem:$0xC0] =	vst v13;
	v13 =	vadd.s32 v0, v12;
	v12 =	vadd.s32 v3, v15;
	v11 =	vand.u32 $0xFFFFFC00, v63  }
.LBB2_1:
0x1f: {  	p0 =	sne.s32 s10, $0x1;
	s10 =	sadd.s32 $0xFFFFFFFF, s10;
	v10 =	vor.u32 v10, v13;
	[tilespmem:$0x90] =	vst v14;
	v11 =	vadd.s32 v4, v11;
	v8 =	vand.u32 $0x7F, v8  }
0x20: {  	v9 =	vor.u32 v9, v12;
	[tilespmem:$0x80] =	vst v10;
	v8 =	vor.u32 v8, v11  }
0x21: {  	[tilespmem:$0xD0] =	vst v8  }
0x22: {  	[tilespmem:$0xB0] =	vst v9  }
0x23: {  	[tilespmem:s8], [sflag:$0x1] =	stream.indirect.gather [hbm4b:s2+s7], $0x1, s7, s7, $0xb8;
	[tilespmem:$0x180] =	vst v63  }
0x24: {  	_ =	swait.ge [sflag:s9], $0x80  }
0x25: {  	[sflag:s9] =	ssyncset.done $0x0  }
0x26: {  	[sflag:s9] =	ssyncadd.s32 $0xFFFFFF80  }
0x27: {  	[hbm4b:s6+s3] =	stream.linear.scatter [tilespmem:s8], [sflag:$0x2], $0x80, $0x38;
	[tilespmem:$0x180] =	vst v63  }
0x28: {  	_ =	swait.ge [sflag:s4], $0x80  }
0x29: {  	[sflag:s4] =	ssyncset.done $0x0  }
0x2a: {  	[sflag:s4] =	ssyncadd.s32 $0xFFFFFF80  }
0x2b: {  	[tilespmem:s3], [sflag:$0x2] =	stream.linear.gather [hbm4b:s5+s3], $0x80, $0x38;
	[tilespmem:$0x180] =	vst v63  }
0x2c: {  	_ =	swait.ge [sflag:s4], $0x80  }
0x2d: {  	[sflag:s4] =	ssyncset.done $0x0  }
0x2e: {  	[sflag:s4] =	ssyncadd.s32 $0xFFFFFF80  }
0x2f: {  	v8 =	vld [tilespmem:$0x70]  }
0x30: {  	v9 =	vld [tilespmem:$0x60]  }
0x31: {  	v10 =	vld [tilespmem:$0x20]  }
0x32: {  	v11 =	vld [tilespmem:$0x40]  }
0x33: {  	v12 =	vld [tilespmem:$0x10]  }
0x34: {  	v13 =	vld [tilespmem:$0x0];
	v14 =	vshll.u32 v8, $0x3;
	v15 =	vand.u32 $0x7F, v8  }
0x35: {  	v16 =	vld [tilespmem:$0x30];
	v17 =	vshll.u32 v9, $0x3;
	v9 =	vand.u32 $0x7F, v9;
	v14 =	vand.u32 $0xFFFFFC00, v14  }
0x36: {  	v18 =	vand.u32 $0x7F, v10;
	v8 =	vld [tilespmem:$0x50];
	v17 =	vand.u32 $0xFFFFFC00, v17;
	v14 =	vadd.s32 v7, v14  }
0x37: {  	v19 =	vshll.u32 v10, $0x3;
	v10 =	vadd.s32 v6, v17;
	v14 =	vor.u32 v15, v14  }
0x38: {  	v17 =	vshll.u32 v11, $0x3;
	v15 =	vand.u32 $0x7F, v12;
	v9 =	vor.u32 v9, v10;
	[tilespmem:$0xF0] =	vst v14  }
0x39: {  	v12 =	vshll.u32 v12, $0x3;
	v14 =	vand.u32 $0xFFFFFC00, v19;
	v10 =	vand.u32 $0x7F, v13;
	[tilespmem:$0xE0] =	vst v9  }
0x3a: {  	v17 =	vand.u32 $0xFFFFFC00, v17;
	v14 =	vadd.s32 v2, v14;
	v9 =	vand.u32 $0x7F, v16  }
.Ltmp1:
0x3b: {  	v11 =	vand.u32 $0x7F, v11;
	v14 =	vor.u32 v18, v14;
	v16 =	vshll.u32 v16, $0x3;
	(pc) =	sbr.rel @p0 .LBB2_1-.Ltmp1, $4  }
0x3c: {  	v13 =	vshll.u32 v13, $0x3;
	[tilespmem:$0xA0] =	vst v14;
	v14 =	vadd.s32 v5, v17;
	v17 =	vshll.u32 v8, $0x3  }
0x3d: {  	v12 =	vand.u32 $0xFFFFFC00, v12;
	v13 =	vand.u32 $0xFFFFFC00, v13;
	v11 =	vor.u32 v11, v14  }
0x3e: {  	v12 =	vadd.s32 v1, v12;
	v16 =	vand.u32 $0xFFFFFC00, v16;
	[tilespmem:$0xC0] =	vst v11;
	v11 =	vand.u32 $0xFFFFFC00, v17  }
0x3f: {  	v13 =	vadd.s32 v0, v13;
	v14 =	vor.u32 v15, v12;
	v12 =	vadd.s32 v3, v16  }
.LBB2_2:
0x40: {  	v0 =	vor.u32 v10, v13;
	[tilespmem:$0x90] =	vst v14  }
0x41: {  	v1 =	vadd.s32 v4, v11;
	v2 =	vand.u32 $0x7F, v8;
	v63 =	vor.u32 v9, v12;
	[tilespmem:$0x80] =	vst v0  }
0x42: {  	v62 =	vor.u32 v2, v1;
	[tilespmem:$0xB0] =	vst v63  }
0x43: {  	[tilespmem:$0xD0] =	vst v62  }
0x44: {  	[tilespmem:s8], [sflag:$0x1] =	stream.indirect.gather [hbm4b:s2+s7], $0x1, s7, s7, $0xb8;
	[tilespmem:$0x180] =	vst v63  }
0x45: {  	_ =	swait.ge [sflag:s9], $0x80  }
0x46: {  	[sflag:s9] =	ssyncset.done $0x0  }
0x47: {  	[sflag:s9] =	ssyncadd.s32 $0xFFFFFF80  }
0x48: {  	[hbm4b:s6+s3] =	stream.linear.scatter [tilespmem:s8], [sflag:$0x2], $0x80, $0x38;
	[tilespmem:$0x180] =	vst v63  }
0x49: {  	_ =	swait.ge [sflag:s4], $0x80  }
0x4a: {  	[sflag:s4] =	ssyncset.done $0x0  }
0x4b: {  	[sflag:s4] =	ssyncadd.s32 $0xFFFFFF80  }
0x4c: {  	_ =	sfence.sel $0x180000  }
0x4d: {  	[bflag:$0x0] =	sbarrier.arrive $0xFFFF  }
0x4e: {  	p0 =	sne.s32 s0, $0x0;
	_ =	strace $0x90000047  }
0x4f: {  	s0 =	sadd.s32 @!p0 $0x100000, s1;
	[bflag:$0x2] =	sbarrier.arrive $0xFFFF  }
0x50: {  	[sflag:s0] =	ssyncadd.tile.s32 @!p0 $0x1;
	_ =	shalt  }
.Lfunc_end2:
_tile_overlayer_lowered:
.L_overlay_start_2:
0x51: {  	(tag) =	ssettag $0x2  }
0x52: {  	s0 =	rddreg [dreg:$0x0];
	s2 =	stileid.u32  }
0x53: {  	s1 =	rddreg [dreg:$0x1];
	p0 =	sne.s32 s2, $0x0  }
0x54: {  	s3 =	rddreg [dreg:$0x2];
	[bflag:$0x3] =	sbarrier.arrive $0xFFFF;
	s2 =	simm.s32 @!p0 $0x1C02  }
0x55: {  	[timem:s3], [sflag:s2] =	dma.local @!p0 [hbm:s0], s1  }
0x56: {  	s0 =	simm.s32 @!p0 $0x2  }
0x57: {  	_ =	swait.ge @!p0 [sflag:s0], s1  }
0x58: {  	s1 =	ssub.s32 @!p0 $0x0, s1;
	[sflag:s0] =	ssyncset.done @!p0 $0x0  }
0x59: {  	[sflag:s0] =	ssyncadd.s32 @!p0 s1  }
0x5a: {  	[bflag:$0x3] =	sbarrier.arrive $0xFFFF  }
0x5b: {  	_ =	shalt  }

</sc_bundles>
